<compile_context>
chip_gen: v7x
topology: tpu7x:2x2x1
jax: 0.10.2.dev20260603
libtpu: 0.0.44.dev20260713+nightly
codegen_flags: <defaults>
</compile_context>

<pallas_src>
import functools

import jax
import jax.numpy as jnp
from jax import lax
from jax.experimental import pallas as pl
from jax.experimental.pallas import tpu as pltpu
from jax.experimental.pallas import tpu_sc as plsc

_B, _T, _D, _NNEG = 2, 2048, 768, 10
_BT = _B * _T
_NR = _NNEG * _B * _T
_NC, _NS = 2, 16
_NW = _NC * _NS
_C = 80
_NPW = _NR // _NW
_NCH = _NPW // _C


@functools.partial(
    pl.kernel,
    out_type=jax.ShapeDtypeStruct((_NR, _D), jnp.float32),
    mesh=plsc.VectorSubcoreMesh(core_axis_name="c", subcore_axis_name="s"),
    scratch_types=(
        pltpu.VMEM((_NPW,), jnp.int32),
        pltpu.VMEM((_C, _D), jnp.float32),
        pltpu.VMEM((_C, _D), jnp.float32),
        pltpu.SemaphoreType.DMA,
        pltpu.SemaphoreType.DMA,
    ),
)
def _sc_gather(x_hbm, idxn_hbm, neg_hbm, idxn_v, buf0, buf1, sem0, sem1):
    wid = lax.axis_index("s") * _NC + lax.axis_index("c")
    nbase = wid * _NPW

    pltpu.sync_copy(idxn_hbm.at[pl.ds(nbase, _NPW)], idxn_v)

    def ngather(c, buf, sem):
        pltpu.async_copy(x_hbm.at[idxn_v.at[pl.ds(c * _C, _C)]], buf, sem)

    def nwait(c, buf, sem):
        pltpu.make_async_copy(x_hbm.at[idxn_v.at[pl.ds(c * _C, _C)]], buf, sem).wait()

    ngather(0, buf0, sem0)

    def nbody(k, carry):
        c0 = 2 * k
        c1 = c0 + 1
        ngather(c1, buf1, sem1)
        nwait(c0, buf0, sem0)
        pltpu.sync_copy(buf0, neg_hbm.at[pl.ds(nbase + c0 * _C, _C)])

        @pl.when(c1 + 1 < _NCH)
        def _():
            ngather(c1 + 1, buf0, sem0)

        nwait(c1, buf1, sem1)
        pltpu.sync_copy(buf1, neg_hbm.at[pl.ds(nbase + c1 * _C, _C)])
        return carry

    lax.fori_loop(0, _NCH // 2, nbody, 0)


def _tc_roll_body(x_ref, tgt_ref, xcopy_ref):
    tgt_ref[pl.ds(0, _BT - 1), :] = x_ref[pl.ds(1, _BT - 1), :]
    tgt_ref[pl.ds(_T - 1, 1), :] = x_ref[pl.ds(0, 1), :]
    tgt_ref[pl.ds(_BT - 1, 1), :] = x_ref[pl.ds(_T, 1), :]
    xcopy_ref[...] = x_ref[...]


_tc_roll = pl.pallas_call(
    _tc_roll_body,
    out_shape=(
        jax.ShapeDtypeStruct((_BT, _D), jnp.float32),
        jax.ShapeDtypeStruct((_BT, _D), jnp.float32),
    ),
)


def kernel(x):
    B, T, D = x.shape
    tszs = jnp.repeat(jnp.arange(T), _NNEG)
    neg = jax.random.randint(jax.random.key(42), (B, _NNEG * T), 0, T - 1)
    neg = jnp.where(neg >= tszs[None, :], neg + 1, neg)
    src_t = jnp.where(neg == T - 1, 0, neg + 1)
    src = src_t + jnp.arange(B)[:, None] * T
    idxn = src.reshape(B, T, _NNEG).transpose(2, 0, 1).reshape(-1)
    idxn = idxn.astype(jnp.int32)

    x_flat = x.reshape(_BT, D)
    negs = _sc_gather(x_flat, idxn)
    tgt, xc = _tc_roll(x_flat)
    return (xc.reshape(B, T, D), tgt.reshape(B, T, D),
            negs.reshape(_NNEG, B, T, D))

# --- scband reference (transcript-rebuilt; emitter-appended) ---
"""Pipeline reference for scband-negative-sampler-30399778521393 (READ-ONLY COPY).

The authoritative reference and input builder live on the scoring server;
editing this copy changes nothing except your own understanding.
"""

import jax, jax.numpy as jnp
import numpy as np

N_NEGATIVES = 10


def setup_inputs(seed: int = 0) -> dict:
    key = jax.random.key(seed)
    x = jax.random.normal(key, (2, 2048, 768), dtype=jnp.float32)
    return {"x": x}


def _sample_negatives(y, n_negatives, key):
    # Faithful jax port of wav2vec-style sample_negatives: for each (b, t)
    # position draw n_negatives indices uniformly from the same sequence,
    # excluding the positive index t itself.
    B, T, D = y.shape
    flat = y.reshape(-1, D)
    # tszs[i] = t for each of the n_negatives draws at timestep t
    tszs = jnp.repeat(jnp.arange(T), n_negatives)  # (T * n_negatives,)
    neg_idxs = jax.random.randint(key, (B, n_negatives * T), 0, T - 1)
    # shift indices >= t up by one so the positive is never sampled
    neg_idxs = jnp.where(neg_idxs >= tszs[None, :], neg_idxs + 1, neg_idxs)
    # offset into the flattened (B*T, D) buffer per batch row
    neg_idxs = neg_idxs + jnp.arange(B)[:, None] * T
    negs = jnp.take(flat, neg_idxs.reshape(-1), axis=0)
    negs = negs.reshape(B, T, n_negatives, D).transpose(2, 0, 1, 3)
    return negs, neg_idxs


def reference(x):
    # forward(self, x, transpose=False, attention_mask=None)
    targets = jnp.roll(x, -1, axis=1)
    negatives, _neg_ids = _sample_negatives(targets, N_NEGATIVES, jax.random.key(42))
    return (x, targets, negatives)

if __name__ == "__main__":
    import jax
    _d = setup_inputs()
    print(jax.jit(kernel)(*tuple(_d.values())))

</pallas_src>

<mosaic_0001>
#map = affine_map<(d0, d1) -> (0, 0)>
#map1 = affine_map<(d0, d1) -> (0)>
module attributes {stable_mosaic.version = 14 : i64} {
  func.func @_sc_gather(%arg0: i32, %arg1: i32, %arg2: memref<4096x768xf32, #tpu.memory_space<hbm>>, %arg3: memref<40960xi32, #tpu.memory_space<hbm>>, %arg4: memref<40960x768xf32, #tpu.memory_space<hbm>>, %arg5: memref<1280xi32, #tpu.memory_space<vmem>>, %arg6: memref<80x768xf32, #tpu.memory_space<vmem>>, %arg7: memref<80x768xf32, #tpu.memory_space<vmem>>, %arg8: memref<!tpu.dma_semaphore, #tpu.memory_space<semaphore_mem>>, %arg9: memref<!tpu.dma_semaphore, #tpu.memory_space<semaphore_mem>>) attributes {dimension_semantics = [#tpu.dimension_semantics<core_parallel>, #tpu.dimension_semantics<subcore_parallel>], iteration_bounds = array<i64: 2, 16>, scalar_prefetch = 0 : i64, scratch_operands = 5 : i64, tpu.core_type = #tpu.core_type<sc_vector_subcore>, window_params = [{transform_indices = #map}, {transform_indices = #map1}, {transform_indices = #map}]} {
    %mul3A = arith.constant 2 : i32
    %mul3A_0 = arith.muli %arg1, %mul3A : i32
    %add3A = arith.addi %mul3A_0, %arg0 : i32
    %mul3A_1 = arith.constant 1280 : i32
    %mul3A_2 = arith.muli %add3A, %mul3A_1 : i32
    "tpu.region"() ({
      %run_scoped3A = tpu.sem_alloc : memref<!tpu.dma_semaphore, #tpu.memory_space<semaphore_mem>>
      %dma_start3A_12 = tpu.memref_slice %arg3[%mul3A_2] : memref<40960xi32, #tpu.memory_space<hbm>> -> memref<1280xi32, #tpu.memory_space<hbm>>
      %dma_start3A_13 = tpu.memref_slice %arg3[%mul3A_2] : memref<40960xi32, #tpu.memory_space<hbm>> -> memref<1280xi32, #tpu.memory_space<hbm>>
      tpu.enqueue_dma source(%dma_start3A_13 : memref<1280xi32, #tpu.memory_space<hbm>>) target(%arg5 : memref<1280xi32, #tpu.memory_space<vmem>>) target_semaphore(%run_scoped3A : memref<!tpu.dma_semaphore, #tpu.memory_space<semaphore_mem>>)
      %dma_wait3A = tpu.memref_slice %arg3[%mul3A_2] : memref<40960xi32, #tpu.memory_space<hbm>> -> memref<1280xi32, #tpu.memory_space<hbm>>
      %dma_wait3A_14 = tpu.memref_slice %arg3[%mul3A_2] : memref<40960xi32, #tpu.memory_space<hbm>> -> memref<1280xi32, #tpu.memory_space<hbm>>
      tpu.wait_dma2 semaphore(%run_scoped3A : memref<!tpu.dma_semaphore, #tpu.memory_space<semaphore_mem>>) src(%dma_wait3A_14 : memref<1280xi32, #tpu.memory_space<hbm>>) dst(%arg5 : memref<1280xi32, #tpu.memory_space<vmem>>)
      tpu.yield
    }) : () -> ()
    %dma_start3A = arith.constant 0 : i32
    %dma_start3A_3 = tpu.memref_slice %arg5[%dma_start3A] : memref<1280xi32, #tpu.memory_space<vmem>> -> memref<80xi32, #tpu.memory_space<vmem>>
    %dma_start3A_4 = arith.constant 0 : i32
    %dma_start3A_5 = arith.constant 0 : i32
    %dma_start3A_6 = tpu.memref_slice %arg2[%dma_start3A_4, %dma_start3A_5] : memref<4096x768xf32, #tpu.memory_space<hbm>> -> memref<4096x768xf32, #tpu.memory_space<hbm>>
    tpu.enqueue_indirect_dma source(%dma_start3A_6 : memref<4096x768xf32, #tpu.memory_space<hbm>>) target(%arg6 : memref<80x768xf32, #tpu.memory_space<vmem>>) offsets(%dma_start3A_3 : memref<80xi32, #tpu.memory_space<vmem>>) semaphore(%arg8 : memref<!tpu.dma_semaphore, #tpu.memory_space<semaphore_mem>>)
    %scan3A = arith.constant 0 : i32
    %scan3A_7 = arith.constant 0 : i32
    %scan3A_8 = arith.constant 8 : i32
    %scan3A_9 = arith.addi %scan3A_7, %scan3A_8 : i32
    %scan3A_10 = arith.constant 1 : i32
    scf.for %scan3A_12 = %scan3A_7 to %scan3A_9 step %scan3A_10  : i32 {
      %mul3A_13 = arith.constant 2 : i32
      %mul3A_14 = arith.muli %mul3A_13, %scan3A_12 : i32
      %add3A_15 = arith.constant 1 : i32
      %add3A_16 = arith.addi %mul3A_14, %add3A_15 : i32
      %mul3A_17 = arith.constant 80 : i32
      %mul3A_18 = arith.muli %add3A_16, %mul3A_17 : i32
      %dma_start3A_19 = tpu.memref_slice %arg5[%mul3A_18] : memref<1280xi32, #tpu.memory_space<vmem>> -> memref<80xi32, #tpu.memory_space<vmem>>
      %dma_start3A_20 = arith.constant 0 : i32
      %dma_start3A_21 = arith.constant 0 : i32
      %dma_start3A_22 = tpu.memref_slice %arg2[%dma_start3A_20, %dma_start3A_21] : memref<4096x768xf32, #tpu.memory_space<hbm>> -> memref<4096x768xf32, #tpu.memory_space<hbm>>
      tpu.enqueue_indirect_dma source(%dma_start3A_22 : memref<4096x768xf32, #tpu.memory_space<hbm>>) target(%arg7 : memref<80x768xf32, #tpu.memory_space<vmem>>) offsets(%dma_start3A_19 : memref<80xi32, #tpu.memory_space<vmem>>) semaphore(%arg9 : memref<!tpu.dma_semaphore, #tpu.memory_space<semaphore_mem>>)
      %mul3A_23 = arith.constant 80 : i32
      %mul3A_24 = arith.muli %mul3A_14, %mul3A_23 : i32
      %dma_wait3A = tpu.memref_slice %arg5[%mul3A_24] : memref<1280xi32, #tpu.memory_space<vmem>> -> memref<80xi32, #tpu.memory_space<vmem>>
      %dma_wait3A_25 = arith.constant 0 : i32
      %dma_wait3A_26 = arith.constant 0 : i32
      %dma_wait3A_27 = tpu.memref_slice %arg2[%dma_wait3A_25, %dma_wait3A_26] : memref<4096x768xf32, #tpu.memory_space<hbm>> -> memref<4096x768xf32, #tpu.memory_space<hbm>>
      tpu.wait_indirect_dma semaphore(%arg8 : memref<!tpu.dma_semaphore, #tpu.memory_space<semaphore_mem>>) src(%dma_wait3A_27 : memref<4096x768xf32, #tpu.memory_space<hbm>>) dst(%arg6 : memref<80x768xf32, #tpu.memory_space<vmem>>)
      %mul3A_28 = arith.constant 80 : i32
      %mul3A_29 = arith.muli %mul3A_14, %mul3A_28 : i32
      %add3A_30 = arith.addi %mul3A_2, %mul3A_29 : i32
      "tpu.region"() ({
        %run_scoped3A = tpu.sem_alloc : memref<!tpu.dma_semaphore, #tpu.memory_space<semaphore_mem>>
        %dma_start3A_44 = arith.constant 0 : i32
        %dma_start3A_45 = tpu.memref_slice %arg4[%add3A_30, %dma_start3A_44] : memref<40960x768xf32, #tpu.memory_space<hbm>> -> memref<80x768xf32, #tpu.memory_space<hbm>>
        %dma_start3A_46 = arith.constant 0 : i32
        %dma_start3A_47 = tpu.memref_slice %arg4[%add3A_30, %dma_start3A_46] : memref<40960x768xf32, #tpu.memory_space<hbm>> -> memref<80x768xf32, #tpu.memory_space<hbm>>
        tpu.enqueue_dma source(%arg6 : memref<80x768xf32, #tpu.memory_space<vmem>>) target(%dma_start3A_47 : memref<80x768xf32, #tpu.memory_space<hbm>>) target_semaphore(%run_scoped3A : memref<!tpu.dma_semaphore, #tpu.memory_space<semaphore_mem>>)
        %dma_wait3A_48 = arith.constant 0 : i32
        %dma_wait3A_49 = tpu.memref_slice %arg4[%add3A_30, %dma_wait3A_48] : memref<40960x768xf32, #tpu.memory_space<hbm>> -> memref<80x768xf32, #tpu.memory_space<hbm>>
        %dma_wait3A_50 = arith.constant 0 : i32
        %dma_wait3A_51 = tpu.memref_slice %arg4[%add3A_30, %dma_wait3A_50] : memref<40960x768xf32, #tpu.memory_space<hbm>> -> memref<80x768xf32, #tpu.memory_space<hbm>>
        tpu.wait_dma2 semaphore(%run_scoped3A : memref<!tpu.dma_semaphore, #tpu.memory_space<semaphore_mem>>) src(%arg6 : memref<80x768xf32, #tpu.memory_space<vmem>>) dst(%dma_wait3A_51 : memref<80x768xf32, #tpu.memory_space<hbm>>)
        tpu.yield
      }) : () -> ()
      %add3A_31 = arith.constant 1 : i32
      %add3A_32 = arith.addi %add3A_16, %add3A_31 : i32
      %lt3A = arith.constant 16 : i32
      %lt3A_33 = arith.cmpi slt, %add3A_32, %lt3A : i32
      %convert_element_type3A = arith.extui %lt3A_33 : i1 to i32
      %cond3A = arith.constant 0 : i32
      %cond3A_34 = arith.cmpi ne, %convert_element_type3A, %cond3A : i32
      scf.if %cond3A_34 {
        %add3A_44 = arith.constant 1 : i32
        %add3A_45 = arith.addi %add3A_16, %add3A_44 : i32
        %mul3A_46 = arith.constant 80 : i32
        %mul3A_47 = arith.muli %add3A_45, %mul3A_46 : i32
        %dma_start3A_48 = tpu.memref_slice %arg5[%mul3A_47] : memref<1280xi32, #tpu.memory_space<vmem>> -> memref<80xi32, #tpu.memory_space<vmem>>
        %dma_start3A_49 = arith.constant 0 : i32
        %dma_start3A_50 = arith.constant 0 : i32
        %dma_start3A_51 = tpu.memref_slice %arg2[%dma_start3A_49, %dma_start3A_50] : memref<4096x768xf32, #tpu.memory_space<hbm>> -> memref<4096x768xf32, #tpu.memory_space<hbm>>
        tpu.enqueue_indirect_dma source(%dma_start3A_51 : memref<4096x768xf32, #tpu.memory_space<hbm>>) target(%arg6 : memref<80x768xf32, #tpu.memory_space<vmem>>) offsets(%dma_start3A_48 : memref<80xi32, #tpu.memory_space<vmem>>) semaphore(%arg8 : memref<!tpu.dma_semaphore, #tpu.memory_space<semaphore_mem>>)
      } else {
      }
      %mul3A_35 = arith.constant 80 : i32
      %mul3A_36 = arith.muli %add3A_16, %mul3A_35 : i32
      %dma_wait3A_37 = tpu.memref_slice %arg5[%mul3A_36] : memref<1280xi32, #tpu.memory_space<vmem>> -> memref<80xi32, #tpu.memory_space<vmem>>
      %dma_wait3A_38 = arith.constant 0 : i32
      %dma_wait3A_39 = arith.constant 0 : i32
      %dma_wait3A_40 = tpu.memref_slice %arg2[%dma_wait3A_38, %dma_wait3A_39] : memref<4096x768xf32, #tpu.memory_space<hbm>> -> memref<4096x768xf32, #tpu.memory_space<hbm>>
      tpu.wait_indirect_dma semaphore(%arg9 : memref<!tpu.dma_semaphore, #tpu.memory_space<semaphore_mem>>) src(%dma_wait3A_40 : memref<4096x768xf32, #tpu.memory_space<hbm>>) dst(%arg7 : memref<80x768xf32, #tpu.memory_space<vmem>>)
      %mul3A_41 = arith.constant 80 : i32
      %mul3A_42 = arith.muli %add3A_16, %mul3A_41 : i32
      %add3A_43 = arith.addi %mul3A_2, %mul3A_42 : i32
      "tpu.region"() ({
        %run_scoped3A = tpu.sem_alloc : memref<!tpu.dma_semaphore, #tpu.memory_space<semaphore_mem>>
        %dma_start3A_44 = arith.constant 0 : i32
        %dma_start3A_45 = tpu.memref_slice %arg4[%add3A_43, %dma_start3A_44] : memref<40960x768xf32, #tpu.memory_space<hbm>> -> memref<80x768xf32, #tpu.memory_space<hbm>>
        %dma_start3A_46 = arith.constant 0 : i32
        %dma_start3A_47 = tpu.memref_slice %arg4[%add3A_43, %dma_start3A_46] : memref<40960x768xf32, #tpu.memory_space<hbm>> -> memref<80x768xf32, #tpu.memory_space<hbm>>
        tpu.enqueue_dma source(%arg7 : memref<80x768xf32, #tpu.memory_space<vmem>>) target(%dma_start3A_47 : memref<80x768xf32, #tpu.memory_space<hbm>>) target_semaphore(%run_scoped3A : memref<!tpu.dma_semaphore, #tpu.memory_space<semaphore_mem>>)
        %dma_wait3A_48 = arith.constant 0 : i32
        %dma_wait3A_49 = tpu.memref_slice %arg4[%add3A_43, %dma_wait3A_48] : memref<40960x768xf32, #tpu.memory_space<hbm>> -> memref<80x768xf32, #tpu.memory_space<hbm>>
        %dma_wait3A_50 = arith.constant 0 : i32
        %dma_wait3A_51 = tpu.memref_slice %arg4[%add3A_43, %dma_wait3A_50] : memref<40960x768xf32, #tpu.memory_space<hbm>> -> memref<80x768xf32, #tpu.memory_space<hbm>>
        tpu.wait_dma2 semaphore(%run_scoped3A : memref<!tpu.dma_semaphore, #tpu.memory_space<semaphore_mem>>) src(%arg7 : memref<80x768xf32, #tpu.memory_space<vmem>>) dst(%dma_wait3A_51 : memref<80x768xf32, #tpu.memory_space<hbm>>)
        tpu.yield
      }) : () -> ()
    }
    %scan3A_11 = arith.constant 8 : i32
    return
  }
}

module attributes {stable_mosaic.version = 14 : i64} {
  func.func @_tc_roll_body(%arg0: memref<4096x768xf32, #tpu.memory_space<vmem>>, %arg1: memref<4096x768xf32, #tpu.memory_space<vmem>>, %arg2: memref<4096x768xf32, #tpu.memory_space<vmem>>) attributes {dimension_semantics = [], scalar_prefetch = 0 : i64, scratch_operands = 0 : i64, tpu.core_type = #tpu.core_type<tc>} {
    %get3A = arith.constant 1 : index
    %get3A_0 = arith.constant 0 : index
    %get3A_1 = vector.load %arg0[%get3A, %get3A_0] : memref<4096x768xf32, #tpu.memory_space<vmem>>, vector<4095x768xf32>
    %swap3A = arith.constant 0 : index
    %swap3A_2 = arith.constant 0 : index
    %swap3A_3 = vector.load %arg1[%swap3A, %swap3A_2] : memref<4096x768xf32, #tpu.memory_space<vmem>>, vector<4095x768xf32>
    tpu.vector_store %arg1[%swap3A, %swap3A_2], %get3A_1 {strides = array<i32>} : memref<4096x768xf32, #tpu.memory_space<vmem>>, vector<4095x768xf32>,
    %get3A_4 = arith.constant 0 : index
    %get3A_5 = arith.constant 0 : index
    %get3A_6 = vector.load %arg0[%get3A_4, %get3A_5] : memref<4096x768xf32, #tpu.memory_space<vmem>>, vector<1x768xf32>
    %swap3A_7 = arith.constant 2047 : index
    %swap3A_8 = arith.constant 0 : index
    %swap3A_9 = vector.load %arg1[%swap3A_7, %swap3A_8] : memref<4096x768xf32, #tpu.memory_space<vmem>>, vector<1x768xf32>
    tpu.vector_store %arg1[%swap3A_7, %swap3A_8], %get3A_6 {strides = array<i32>} : memref<4096x768xf32, #tpu.memory_space<vmem>>, vector<1x768xf32>,
    %get3A_10 = arith.constant 2048 : index
    %get3A_11 = arith.constant 0 : index
    %get3A_12 = vector.load %arg0[%get3A_10, %get3A_11] : memref<4096x768xf32, #tpu.memory_space<vmem>>, vector<1x768xf32>
    %swap3A_13 = arith.constant 4095 : index
    %swap3A_14 = arith.constant 0 : index
    %swap3A_15 = vector.load %arg1[%swap3A_13, %swap3A_14] : memref<4096x768xf32, #tpu.memory_space<vmem>>, vector<1x768xf32>
    tpu.vector_store %arg1[%swap3A_13, %swap3A_14], %get3A_12 {strides = array<i32>} : memref<4096x768xf32, #tpu.memory_space<vmem>>, vector<1x768xf32>,
    %get3A_16 = arith.constant 0 : index
    %get3A_17 = arith.constant 0 : index
    %get3A_18 = vector.load %arg0[%get3A_16, %get3A_17] : memref<4096x768xf32, #tpu.memory_space<vmem>>, vector<4096x768xf32>
    %swap3A_19 = arith.constant 0 : index
    %swap3A_20 = arith.constant 0 : index
    %swap3A_21 = vector.load %arg2[%swap3A_19, %swap3A_20] : memref<4096x768xf32, #tpu.memory_space<vmem>>, vector<4096x768xf32>
    tpu.vector_store %arg2[%swap3A_19, %swap3A_20], %get3A_18 {strides = array<i32>} : memref<4096x768xf32, #tpu.memory_space<vmem>>, vector<4096x768xf32>,
    return
  }
}

</mosaic_0001>

<sc_bundles>
// kernel: kernel.4.cloned.1.call-start
scs
__scs_entry_jumppad:
0x0: {  	(pc) =	sbr.rel $0x88, $3  }
0x1: {  	(tag) =	ssettag $0x0;
	lr =	simm.s32 $0x1  }
0x2: {  	[smem:$0x3FA0] =	sst lr;
	_ =	strace $0xD0000000  }
0x3: {  	_ = 	snop  }
0x4: {  	_ = 	snop  }
0x5: {  	_ = 	snop  }
0x6: {  	_ = 	snop  }
0x7: {  	_ = 	snop  }
__scs_overlays_trampoline_lowered:
0x8: {  	[smem:$0x3FAF] =	sst s0  }
0x9: {  	[smem:$0x3FB0] =	sst s1  }
0xa: {  	[smem:$0x3FB1] =	sst s2  }
0xb: {  	[smem:$0x3FB2] =	sst s3  }
0xc: {  	[smem:$0x3FB3] =	sst s4  }
0xd: {  	[smem:$0x3FB4] =	sst s5  }
0xe: {  	[smem:$0x3FB5] =	sst s6  }
0xf: {  	[smem:$0x3FB6] =	sst s7  }
0x10: {  	[smem:$0x3FB7] =	sst s8  }
0x11: {  	[smem:$0x3FB8] =	sst s9;
	s0 =	simm.s32 @!p0 $0x0  }
0x12: {  	s1 =	sld [smem:$0x3F9E];
	s0 =	simm.s32 @p0 $0x1  }
0x13: {  	[smem:$0x3FB9] =	sst s0;
	s0 =	simm.s32 @!p1 $0x0  }
0x14: {  	s2 =	sld [smem:$0x3F9D];
	s0 =	simm.s32 @p1 $0x1  }
0x15: {  	[smem:$0x3FBA] =	sst s0;
	s0 =	simm.s32 @!p2 $0x0  }
0x16: {  	s3 =	sld [smem:$0x3FDB];
	s0 =	simm.s32 @p2 $0x1  }
0x17: {  	s4 =	simm.s32 $0x1BF5;
	[smem:$0x3FBC] =	sst s0  }
0x18: {  	s0 =	sld [smem:$0x3F9F];
	_ =	swait.ge [sflag:s4], $0x0  }
0x19: {  	s7 =	sld [smem:$0x3FA0]  }
0x1a: {  	s8 =	sadd.s32 $0xFFFFE003, lr  }
0x1b: {  	s9 =	sadd.s32 $0xFFFFFEF7, lr;
	s5 =	simm.s32 $0xFFFFFFFF;
	p2 =	slt.u32 s8, $0xFFFFF086  }
0x1c: {  	p1 =	slt.u32 s9, $0xF7A;
	s5 =	simm.s32 @!p2 $0x0  }
0x1d: {  	s5 =	simm.s32 @p1 $0x1;
	p0 =	seq.s32 s7, s2  }
0x1e: {  	s7 =	smul.u32 @!p0 $0xF7A, s2;
	p2 =	seq.s32 @!p0 s5, $0x0  }
0x1f: {  	s9 =	smul.u32 $0xF7A, s1;
	s8 =	simm.s32 @!p0 $0x1BF5;
	p2 =	por !p2, p0  }
0x20: {  	[sflag:s8] =	ssyncset.s32 @!p0 $0xFFFFF086;
	s6 =	sadd.s32 @!p0 s3, s7;
	s7 =	simm.s32 @!p0 $0x108  }
0x21: {  	s3 =	sadd.s32 s3, s9;
	s6 =	sadd.s32 @!p0 $0x88, s6;
	s7 =	simm.s32 @p2 $0x1082  }
0x22: {  	[simem:s7], [sflag:s8] =	dma.local @!p0 [hbm:s6], $0xF7A  }
0x23: {  	s9 =	sor.u32 $0xD0000000, s2;
	s6 =	simm.s32 $0x108;
	_ =	swait.ge @!p0 [sflag:s8], $0x0  }
0x24: {  	s3 =	sadd.s32 $0x88, s3;
	s6 =	simm.s32 @!p1 $0x1082;
	[sflag:s4] =	ssyncset.s32 $0xFFFFF086  }
0x25: {  	[simem:s6], [sflag:s4] =	dma.local [hbm:s3], $0xF7A  }
0x26: {  	[smem:$0x3FA0] =	sst s1;
	(tag) =	ssettag s2;
	_ =	strace s9  }
0x27: {  	s1 =	sld [smem:$0x3FB0]  }
0x28: {  	s2 =	sld [smem:$0x3FB1]  }
0x29: {  	s4 =	sld [smem:$0x3FB3]  }
0x2a: {  	p0 =	seq.s32 s5, $0x0;
	s5 =	sld [smem:$0x3FB4]  }
0x2b: {  	s6 =	sld [smem:$0x3FB5]  }
0x2c: {  	s7 =	sld [smem:$0x3FB6]  }
0x2d: {  	s3 =	simm.s32 $0x108;
	s8 =	sld [smem:$0x3FB7]  }
0x2e: {  	s3 =	simm.s32 @!p0 $0x1082;
	s9 =	sld [smem:$0x3FB8]  }
0x2f: {  	lr =	sadd.s32 s0, s3;
	s0 =	sld [smem:$0x3FAF]  }
0x30: {  	s3 =	sld [smem:$0x3FB2]  }
0x31: {  	[smem:$0x3FBB] =	sst s10  }
0x32: {  	s10 =	sld [smem:$0x3FB9];
	_ =	sdelay $0x3  }
0x33: {  	p0 =	seq.s32 s10, $0x1;
	s10 =	sld [smem:$0x3FBB];
	_ =	sdelay $0x3  }
0x34: {  	[smem:$0x3FBB] =	sst s10  }
0x35: {  	s10 =	sld [smem:$0x3FBA];
	_ =	sdelay $0x3  }
0x36: {  	p1 =	seq.s32 s10, $0x1;
	s10 =	sld [smem:$0x3FBB];
	_ =	sdelay $0x3  }
0x37: {  	[smem:$0x3FBB] =	sst s10  }
0x38: {  	s10 =	sld [smem:$0x3FBC]  }
0x39: {  	_ = 	snop;
	(pc) =	sbr.ind lr, $3  }
0x3a: {  	_ = 	snop  }
0x3b: {  	_ = 	snop  }
0x3c: {  	p2 =	seq.s32 s10, $0x1;
	s10 =	sld [smem:$0x3FBB]  }
0x3d: {  	_ =	shalt  }
0x3e: {  	_ =	shalt  }
0x3f: {  	_ =	shalt  }
0x40: {  	_ =	shalt  }
0x41: {  	_ =	shalt  }
0x42: {  	_ =	shalt  }
0x43: {  	_ =	shalt  }
0x44: {  	_ =	shalt  }
0x45: {  	_ =	shalt  }
0x46: {  	_ =	shalt  }
0x47: {  	_ =	shalt  }
0x48: {  	_ =	shalt  }
0x49: {  	_ =	shalt  }
0x4a: {  	_ =	shalt  }
0x4b: {  	_ =	shalt  }
0x4c: {  	_ =	shalt  }
0x4d: {  	_ =	shalt  }
0x4e: {  	_ =	shalt  }
0x4f: {  	_ =	shalt  }
0x50: {  	_ =	shalt  }
0x51: {  	_ =	shalt  }
0x52: {  	_ =	shalt  }
0x53: {  	_ =	shalt  }
0x54: {  	_ =	shalt  }
0x55: {  	_ =	shalt  }
0x56: {  	_ =	shalt  }
0x57: {  	_ =	shalt  }
0x58: {  	_ =	shalt  }
0x59: {  	_ =	shalt  }
0x5a: {  	_ =	shalt  }
0x5b: {  	_ =	shalt  }
0x5c: {  	_ =	shalt  }
0x5d: {  	_ =	shalt  }
0x5e: {  	_ =	shalt  }
0x5f: {  	_ =	shalt  }
0x60: {  	_ =	shalt  }
0x61: {  	_ =	shalt  }
0x62: {  	_ =	shalt  }
0x63: {  	_ =	shalt  }
0x64: {  	_ =	shalt  }
0x65: {  	_ =	shalt  }
0x66: {  	_ =	shalt  }
0x67: {  	_ =	shalt  }
0x68: {  	_ =	shalt  }
0x69: {  	_ =	shalt  }
0x6a: {  	_ =	shalt  }
0x6b: {  	_ =	shalt  }
0x6c: {  	_ =	shalt  }
0x6d: {  	_ =	shalt  }
0x6e: {  	_ =	shalt  }
0x6f: {  	_ =	shalt  }
0x70: {  	_ =	shalt  }
0x71: {  	_ =	shalt  }
0x72: {  	_ =	shalt  }
0x73: {  	_ =	shalt  }
0x74: {  	_ =	shalt  }
0x75: {  	_ =	shalt  }
0x76: {  	_ =	shalt  }
0x77: {  	_ =	shalt  }
0x78: {  	_ =	shalt  }
0x79: {  	_ =	shalt  }
0x7a: {  	_ =	shalt  }
0x7b: {  	_ =	shalt  }
0x7c: {  	_ =	shalt  }
0x7d: {  	_ =	shalt  }
0x7e: {  	_ =	shalt  }
0x7f: {  	_ =	shalt  }
0x80: {  	_ =	shalt  }
0x81: {  	_ =	shalt  }
0x82: {  	_ =	shalt  }
0x83: {  	_ =	shalt  }
0x84: {  	_ =	shalt  }
0x85: {  	_ =	shalt  }
0x86: {  	_ =	shalt  }
0x87: {  	_ =	shalt  }
.Lfunc_end0:
.L_simem_size_0:
called_computation_lowered:
.L_overlay_start_0:
0x88: {  	s2 =	sld [smem:$0x3FD9]  }
0x89: {  	s3 =	sld [smem:$0x3FFE];
	_ =	sdelay $0x1  }
0x8a: {  	s1 =	srdreg.scid  }
0x8b: {  	s0 =	sand.u32 $0x1, s1  }
0x8c: {  	s14 =	sshll.u32 s0, $0xA;
	s2 =	sadd.s32 s3, s2  }
0x8d: {  	s2 =	sadd.s32 s2, s14  }
0x8e: {  	[smem:$0x3FC7] =	sst s2  }
0x8f: {  	_ = 	snop  }
0x90: {  	s2 =	sld [smem:$0x3FD0];
	_ =	sdelay $0x2  }
0x91: {  	s4 =	simm.s32 $0xA;
	s5 =	simm.s32 $0x10;
	s15 =	sld [smem:$0x3FC9]  }
0x92: {  	[smem:s5], [sflag:s4] =	dma.local [hbm:s2], $0x1  }
0x93: {  	_ =	swait.eq [sflag:s4], $0x1  }
0x94: {  	[sflag:s4] =	ssyncset.done $0x0  }
0x95: {  	[sflag:s4] =	ssyncadd.s32 $0xFFFFFFFF  }
0x96: {  	s16 =	sld [smem:$0x12];
	(tm) =	ssettm $0x1  }
0x97: {  	s17 =	sld [smem:$0x3FFB];
	_ =	sdelay $0x3  }
0x98: {  	_ =	strace s17  }
0x99: {  	s4 =	sld [smem:$0x3FFC];
	_ =	sdelay $0x3  }
0x9a: {  	_ =	strace s4  }
0x9b: {  	s4 =	sld [smem:$0x3FFD];
	_ =	sdelay $0x3  }
0x9c: {  	_ =	strace s4  }
0x9d: {  	_ =	strace $0x8FFFFFFF  }
0x9e: {  	s18 =	sld [smem:$0x3FDB];
	_ =	sdelay $0x1  }
0x9f: {  	s19 =	simm.s32 $_scs_section_size  }
0xa0: {  	s6 =	simm.s32 $_size__tile_overlayer_lowered;
	s7 =	simm.s32 $_tile_overlayer_lowered  }
0xa1: {  	s22 =	simm.s32 $0x1BFF;
	s21 =	sshll.u32 s7, $0x1;
	s4 =	sadd.s32 s19, s18  }
0xa2: {  	s8 =	simm.s32 $0x0;
	s20 =	sshll.u32 s6, $0x1;
	s6 =	sadd.s32 s21, s4  }
0xa3: {  	[timem:s8], [sflag:s22] =	dma.local [hbm:s6], s20  }
0xa4: {  	_ =	swait.ge [sflag:s22], s20  }
0xa5: {  	s5 =	ssub.s32 $0x0, s20;
	[sflag:s22] =	ssyncset.done $0x0  }
0xa6: {  	[sflag:s22] =	ssyncadd.s32 s5;
	_ =	sdelay $0x1  }
0xa7: {  	s23 =	simm.s32 $0x1B8B  }
0xa8: {  	_ =	swait.ge [sflag:s23], $0x1  }
0xa9: {  	[sflag:s23] =	ssyncset.done $0x0  }
0xaa: {  	s25 =	simm.s32 $0x1B8E;
	s24 =	sld [smem:$0x3FFE];
	[sflag:s23] =	ssyncadd.s32 $0xFFFFFFFF  }
0xab: {  	s26 =	simm.s32 $execute0_lowered;
	[smem:$0x3FD2] =	sst s25  }
0xac: {  	s6 =	sshll.u32 s26, $0x1;
	_ =	strace $0x80000046;
	[dreg:$0x1] =	wrdreg $0xFFFFFFFF  }
0xad: {  	s28 =	simm.s32 $_size_execute0_lowered;
	s4 =	sadd.s32 s4, s6;
	[dreg:$0x0] =	wrdreg $0x0  }
0xae: {  	s6 =	sshll.u32 s28, $0x1;
	[dreg:$0x2] =	wrdreg s4  }
0xaf: {  	[dreg:$0x3] =	wrdreg s6  }
0xb0: {  	[dreg:$0x4] =	wrdreg $0xC0  }
0xb1: {  	_ =	task [dreg:s8], $0x5FFFF  }
0xb2: {  	[dreg:$0x1] =	wrdreg $0xFFFFFFFF  }
0xb3: {  	[dreg:$0x0] =	wrdreg $0x60  }
0xb4: {  	[dreg:$0x2] =	wrdreg s15  }
0xb5: {  	[dreg:$0x3] =	wrdreg s24  }
0xb6: {  	[dreg:$0x4] =	wrdreg s16  }
0xb7: {  	[dreg:$0x5] =	wrdreg $0x9  }
0xb8: {  	_ =	task.clear_ibuf [dreg:s8], $0x6FFFF;
	_ =	strace $0x90000046  }
0xb9: {  	s29 =	simm.s32 $0x9;
	_ =	strace $0x80000048  }
0xba: {  	_ =	swait.ge [sflag:s29], $0x1  }
0xbb: {  	[sflag:s29] =	ssyncadd.s32 $0xFFFFFFFF  }
0xbc: {  	_ =	strace $0x90000048  }
0xbd: {  	_ =	sfence  }
0xbe: {  	s30 =	sld [smem:$0x0];
	_ =	sdelay $0x2  }
0xbf: {  	s31 =	sshll.u32 s1, $0xD;
	s1 =	sshrl.u32 s1, $0x2  }
0xc0: {  	s3 =	sand.u32 $0x4000, s31;
	s1 =	sadd.s32 s1, s30  }
0xc1: {  	s0 =	sor.u32 s3, s0;
	s1 =	sshll.u32 s1, $0x11  }
0xc2: {  	s0 =	sor.u32 s1, s0  }
0xc3: {  	s0 =	sadd.s32 $0x8F2B, s0  }
0xc4: {  	[sflag:s0] =	ssyncadd.remote.s32 $0x1  }
0xc5: {  	_ =	sfence.sel $0xFFFF  }
0xc6: {  	[dreg:$0x0] =	wrdreg $0xFFFFFFFF;
	(pc) =	sbr.abs _section_cstart, $3  }
0xc7: {  	[dreg:$0x1] =	wrdreg $0xFFFFFFFF  }
0xc8: {  	_ =	task.clear_ibuf [dreg:s8], $0x2FFFF;
	_ =	strace $0x9FFFFFFF  }
0xc9: {  	(tm) =	ssettm $0x7FFFFFFF  }
tec
execute0_lowered:
.L_overlay_start_1:
0x0: {  	(tag) =	ssettag $0x1  }
0x1: {  	s1 =	rddreg [dreg:$0x0]  }
0x2: {  	s0 =	rddreg [dreg:$0x1];
	s2 =	srdreg.scid  }
0x3: {  	s4 =	stileid.u32;
	s7 =	rddreg [dreg:$0x2];
	s10 =	simm.s32 $0x3  }
0x4: {  	s11 =	simm.s32 $0x500;
	s18 =	simm.s32 $0xF500;
	s12 =	simm.s32 $0x17D00  }
0x5: {  	s13 =	simm.s32 $0x18500;
	s14 =	simm.s32 $0x18D00;
	s15 =	simm.s32 $0x19500  }
0x6: {  	s16 =	simm.s32 $0x19D00;
	s17 =	simm.s32 $0x1A500;
	s19 =	simm.s32 $0x1AD00  }
0x7: {  	s20 =	simm.s32 $0x1B500;
	s21 =	simm.s32 $0x1BD00;
	s22 =	simm.s32 $0x1C500  }
0x8: {  	s23 =	simm.s32 $0x1CD00;
	s24 =	simm.s32 $0x1D500;
	s25 =	simm.s32 $0x1DD00  }
0x9: {  	s28 =	simm.s32 $0x2;
	s2 =	sand.u32 $0x1, s2;
	s3 =	sshll.u32 s4, $0x1  }
0xa: {  	s30 =	simm.s32 $0x0;
	s4 =	smul.u32 $0xA00, s4;
	s5 =	sor.u32 s2, s3  }
0xb: {  	s6 =	smul.u32 $0x500, s2;
	s3 =	simm.s32 $0x0;
	s2 =	ssub.s32 $0x2, s2  }
0xc: {  	s5 =	smul.u32 $0x500, s5;
	[smem:$0x7FF] =	sst s3;
	s29 =	sshrl.u32 s2, $0x1  }
0xd: {  	s4 =	sadd.s32 s6, s4;
	_ =	strace $0x80000047;
	s2 =	ssub.s32 s2, s29  }
0xe: {  	s5 =	sshrl.u32 s5, $0x3;
	s6 =	sor.u32 $0x50, s4;
	s4 =	sshrl.u32 s4, $0x3  }
0xf: {  	s2 =	smax.u32 s2, $0x1;
	s0 =	sadd.s32 s5, s0;
	s31 =	smul.u32 $0x300, s4  }
.Ltmp0:
0x10: {  	s26 =	sshrl.u32 s6, $0x3;
	s5 =	sadd.s32 $0x100, s1;
	(pc) =	sbr.rel .LBB2_1-.Ltmp0, $4  }
0x11: {  	s6 =	sadd.s32 $0x200, s1;
	[dreg:$0x5] =	wrdreg s2;
	s2 =	simm.s32 $0x15D00  }
0x12: {  	v2 =	vlaneseq.u32;
	s4 =	simm.s32 $0x16D00;
	s8 =	smul.u32 $0x300, s26;
	s0 =	sadd.s32 $0x1000, s0  }
0x13: {  	vm0 =	vmmov $0xffff;
	v1 =	vshrl.u32 v2, $0x3;
	s26 =	simm.s32 $0x1;
	[dreg:$0x4] =	wrdreg s0;
	s9 =	sadd.s32 s31, s7  }
0x14: {  	v0 =	vand.u32 $0x7, v2;
	v2 =	vor.u32 $0x8, v2;
	v1 =	vmul.u32 $0x8, v1;
	s0 =	simm.s32 $0x16500;
	s8 =	sadd.s32 s8, s7;
	s7 =	simm.s32 $0x17500  }
.LBB2_5:
0x15: {  	s30 =	rddreg [dreg:$0x6]  }
0x16: {  	s29 =	rddreg [dreg:$0x5];
	s30 =	sadd.s32 $0x1, s30  }
0x17: {  	p0 =	sne.s32 s30, s29  }
.Ltmp1:
0x18: {  	_ = 	snop;
	(pc) =	sbr.rel @!p0 .LBB2_6-.Ltmp1, $1  }
0x19: {  	_ =	sdelay $0x3  }
.LBB2_1:
0x1a: {  	[dreg:$0x6] =	wrdreg s30  }
0x1b: {  	s29 =	rddreg [dreg:$0x4]  }
0x1c: {  	[tilespmem:s3], [sflag:$0x3] =	stream.linear.gather [hbm4b:s29+s3], $0x500, $0x38;
	[tilespmem:$0x1E500] =	vst v63  }
0x1d: {  	_ =	swait.ge [sflag:s10], $0x500  }
0x1e: {  	[sflag:s10] =	ssyncset.done $0x0  }
0x1f: {  	[sflag:s10] =	ssyncadd.s32 $0xFFFFFB00  }
0x20: {  	v3 =	vld [tilespmem:$0x0];
	_ =	sdelay $0x4  }
0x21: {  	v4 =	vshrl.u32 v3, $0x3  }
0x22: {  	v4 =	vmul.u32 $0x30, v4  }
0x23: {  	v3 =	vand.u32 $0x7, v3  }
0x24: {  	v3 =	vor.u32 v3, v4  }
0x25: {  	v4 =	vperm.xlane v3, v0;
	_ =	sdelay $0x1  }
0x26: {  	v4 =	vadd.s32 v1, v4;
	_ =	sdelay $0x3  }
0x27: {  	v3 =	vperm.xlane v3, v2  }
0x28: {  	[tilespmem:s11], [sflag:$0x1] =	stream.indirect_vreg.gather [hbm4b:s1+s3], $0x80, v4, vm0, $0xb8;
	[tilespmem:$0x1E500] =	vst v63  }
0x29: {  	s29 =	simm.s32 $0xD00;
	v3 =	vadd.s32 v1, v3  }
0x2a: {  	[tilespmem:s29], [sflag:$0x1] =	stream.indirect_vreg.gather [hbm4b:s5+s3], $0x80, v4, vm0, $0xb8;
	[tilespmem:$0x1E500] =	vst v63  }
0x2b: {  	s29 =	simm.s32 $0x1500  }
0x2c: {  	[tilespmem:s29], [sflag:$0x1] =	stream.indirect_vreg.gather [hbm4b:s6+s3], $0x80, v4, vm0, $0xb8;
	[tilespmem:$0x1E500] =	vst v63  }
0x2d: {  	s29 =	simm.s32 $0x1D00  }
0x2e: {  	[tilespmem:s29], [sflag:$0x1] =	stream.indirect_vreg.gather [hbm4b:s1+s3], $0x80, v3, vm0, $0xb8;
	[tilespmem:$0x1E500] =	vst v63  }
0x2f: {  	s29 =	simm.s32 $0x2500  }
0x30: {  	[tilespmem:s29], [sflag:$0x1] =	stream.indirect_vreg.gather [hbm4b:s5+s3], $0x80, v3, vm0, $0xb8;
	[tilespmem:$0x1E500] =	vst v63  }
0x31: {  	s29 =	simm.s32 $0x2D00  }
0x32: {  	[tilespmem:s29], [sflag:$0x1] =	stream.indirect_vreg.gather [hbm4b:s6+s3], $0x80, v3, vm0, $0xb8;
	[tilespmem:$0x1E500] =	vst v63  }
0x33: {  	v3 =	vld [tilespmem:$0x10];
	_ =	sdelay $0x4  }
0x34: {  	v60 =	vshrl.u32 v3, $0x3  }
0x35: {  	v4 =	vmul.u32 $0x30, v60  }
0x36: {  	v3 =	vand.u32 $0x7, v3  }
0x37: {  	v3 =	vor.u32 v3, v4  }
0x38: {  	v4 =	vperm.xlane v3, v0;
	_ =	sdelay $0x1  }
0x39: {  	v4 =	vadd.s32 v1, v4;
	_ =	sdelay $0x3  }
0x3a: {  	s29 =	simm.s32 $0x3500;
	v3 =	vperm.xlane v3, v2  }
0x3b: {  	[tilespmem:s29], [sflag:$0x1] =	stream.indirect_vreg.gather [hbm4b:s1+s3], $0x80, v4, vm0, $0xb8;
	[tilespmem:$0x1E500] =	vst v63  }
0x3c: {  	v3 =	vadd.s32 v1, v3;
	s29 =	simm.s32 $0x3D00  }
0x3d: {  	[tilespmem:s29], [sflag:$0x1] =	stream.indirect_vreg.gather [hbm4b:s5+s3], $0x80, v4, vm0, $0xb8;
	[tilespmem:$0x1E500] =	vst v63  }
0x3e: {  	s29 =	simm.s32 $0x4500  }
0x3f: {  	[tilespmem:s29], [sflag:$0x1] =	stream.indirect_vreg.gather [hbm4b:s6+s3], $0x80, v4, vm0, $0xb8;
	[tilespmem:$0x1E500] =	vst v63  }
0x40: {  	s29 =	simm.s32 $0x4D00  }
0x41: {  	[tilespmem:s29], [sflag:$0x1] =	stream.indirect_vreg.gather [hbm4b:s1+s3], $0x80, v3, vm0, $0xb8;
	[tilespmem:$0x1E500] =	vst v63  }
0x42: {  	s29 =	simm.s32 $0x5500  }
0x43: {  	[tilespmem:s29], [sflag:$0x1] =	stream.indirect_vreg.gather [hbm4b:s5+s3], $0x80, v3, vm0, $0xb8;
	[tilespmem:$0x1E500] =	vst v63  }
0x44: {  	s29 =	simm.s32 $0x5D00  }
0x45: {  	[tilespmem:s29], [sflag:$0x1] =	stream.indirect_vreg.gather [hbm4b:s6+s3], $0x80, v3, vm0, $0xb8;
	[tilespmem:$0x1E500] =	vst v63  }
0x46: {  	v3 =	vld [tilespmem:$0x20];
	_ =	sdelay $0x4  }
0x47: {  	v61 =	vshrl.u32 v3, $0x3  }
0x48: {  	v4 =	vmul.u32 $0x30, v61  }
0x49: {  	v3 =	vand.u32 $0x7, v3  }
0x4a: {  	v3 =	vor.u32 v3, v4  }
0x4b: {  	v4 =	vperm.xlane v3, v0;
	_ =	sdelay $0x1  }
0x4c: {  	v4 =	vadd.s32 v1, v4;
	_ =	sdelay $0x3  }
0x4d: {  	s29 =	simm.s32 $0x6500;
	v3 =	vperm.xlane v3, v2  }
0x4e: {  	[tilespmem:s29], [sflag:$0x1] =	stream.indirect_vreg.gather [hbm4b:s1+s3], $0x80, v4, vm0, $0xb8;
	[tilespmem:$0x1E500] =	vst v63  }
0x4f: {  	v3 =	vadd.s32 v1, v3;
	s29 =	simm.s32 $0x6D00  }
0x50: {  	[tilespmem:s29], [sflag:$0x1] =	stream.indirect_vreg.gather [hbm4b:s5+s3], $0x80, v4, vm0, $0xb8;
	[tilespmem:$0x1E500] =	vst v63  }
0x51: {  	s29 =	simm.s32 $0x7500  }
0x52: {  	[tilespmem:s29], [sflag:$0x1] =	stream.indirect_vreg.gather [hbm4b:s6+s3], $0x80, v4, vm0, $0xb8;
	[tilespmem:$0x1E500] =	vst v63  }
0x53: {  	s29 =	simm.s32 $0x7D00  }
0x54: {  	[tilespmem:s29], [sflag:$0x1] =	stream.indirect_vreg.gather [hbm4b:s1+s3], $0x80, v3, vm0, $0xb8;
	[tilespmem:$0x1E500] =	vst v63  }
0x55: {  	s29 =	simm.s32 $0x8500  }
0x56: {  	[tilespmem:s29], [sflag:$0x1] =	stream.indirect_vreg.gather [hbm4b:s5+s3], $0x80, v3, vm0, $0xb8;
	[tilespmem:$0x1E500] =	vst v63  }
0x57: {  	s29 =	simm.s32 $0x8D00  }
0x58: {  	[tilespmem:s29], [sflag:$0x1] =	stream.indirect_vreg.gather [hbm4b:s6+s3], $0x80, v3, vm0, $0xb8;
	[tilespmem:$0x1E500] =	vst v63  }
0x59: {  	v3 =	vld [tilespmem:$0x30];
	_ =	sdelay $0x4  }
0x5a: {  	v62 =	vshrl.u32 v3, $0x3  }
0x5b: {  	v4 =	vmul.u32 $0x30, v62  }
0x5c: {  	v3 =	vand.u32 $0x7, v3  }
0x5d: {  	v3 =	vor.u32 v3, v4  }
0x5e: {  	v4 =	vperm.xlane v3, v0;
	_ =	sdelay $0x1  }
0x5f: {  	v4 =	vadd.s32 v1, v4;
	_ =	sdelay $0x3  }
0x60: {  	s29 =	simm.s32 $0x9500;
	v3 =	vperm.xlane v3, v2  }
0x61: {  	[tilespmem:s29], [sflag:$0x1] =	stream.indirect_vreg.gather [hbm4b:s1+s3], $0x80, v4, vm0, $0xb8;
	[tilespmem:$0x1E500] =	vst v63  }
0x62: {  	v3 =	vadd.s32 v1, v3;
	s29 =	simm.s32 $0x9D00  }
0x63: {  	[tilespmem:s29], [sflag:$0x1] =	stream.indirect_vreg.gather [hbm4b:s5+s3], $0x80, v4, vm0, $0xb8;
	[tilespmem:$0x1E500] =	vst v63  }
0x64: {  	s29 =	simm.s32 $0xA500  }
0x65: {  	[tilespmem:s29], [sflag:$0x1] =	stream.indirect_vreg.gather [hbm4b:s6+s3], $0x80, v4, vm0, $0xb8;
	[tilespmem:$0x1E500] =	vst v63  }
0x66: {  	s29 =	simm.s32 $0xAD00  }
0x67: {  	[tilespmem:s29], [sflag:$0x1] =	stream.indirect_vreg.gather [hbm4b:s1+s3], $0x80, v3, vm0, $0xb8;
	[tilespmem:$0x1E500] =	vst v63  }
0x68: {  	s29 =	simm.s32 $0xB500  }
0x69: {  	[tilespmem:s29], [sflag:$0x1] =	stream.indirect_vreg.gather [hbm4b:s5+s3], $0x80, v3, vm0, $0xb8;
	[tilespmem:$0x1E500] =	vst v63  }
0x6a: {  	s29 =	simm.s32 $0xBD00  }
0x6b: {  	[tilespmem:s29], [sflag:$0x1] =	stream.indirect_vreg.gather [hbm4b:s6+s3], $0x80, v3, vm0, $0xb8;
	[tilespmem:$0x1E500] =	vst v63  }
0x6c: {  	v3 =	vld [tilespmem:$0x40];
	_ =	sdelay $0x4  }
0x6d: {  	v63 =	vshrl.u32 v3, $0x3  }
0x6e: {  	v4 =	vmul.u32 $0x30, v63  }
0x6f: {  	v3 =	vand.u32 $0x7, v3  }
0x70: {  	v3 =	vor.u32 v3, v4  }
0x71: {  	v4 =	vperm.xlane v3, v0;
	_ =	sdelay $0x1  }
0x72: {  	v4 =	vadd.s32 v1, v4;
	_ =	sdelay $0x3  }
0x73: {  	s29 =	simm.s32 $0xC500;
	v3 =	vperm.xlane v3, v2  }
0x74: {  	[tilespmem:s29], [sflag:$0x1] =	stream.indirect_vreg.gather [hbm4b:s1+s3], $0x80, v4, vm0, $0xb8;
	[tilespmem:$0x1E500] =	vst v63  }
0x75: {  	v3 =	vadd.s32 v1, v3;
	s29 =	simm.s32 $0xCD00  }
0x76: {  	[tilespmem:s29], [sflag:$0x1] =	stream.indirect_vreg.gather [hbm4b:s5+s3], $0x80, v4, vm0, $0xb8;
	[tilespmem:$0x1E500] =	vst v63  }
0x77: {  	s29 =	simm.s32 $0xD500  }
0x78: {  	[tilespmem:s29], [sflag:$0x1] =	stream.indirect_vreg.gather [hbm4b:s6+s3], $0x80, v4, vm0, $0xb8;
	[tilespmem:$0x1E500] =	vst v63  }
0x79: {  	s29 =	simm.s32 $0xDD00  }
0x7a: {  	[tilespmem:s29], [sflag:$0x1] =	stream.indirect_vreg.gather [hbm4b:s1+s3], $0x80, v3, vm0, $0xb8;
	[tilespmem:$0x1E500] =	vst v63  }
.Ltmp2:
0x7b: {  	s29 =	simm.s32 $0xE500;
	(pc) =	sbr.rel .LBB2_2-.Ltmp2, $4  }
0x7c: {  	[tilespmem:s29], [sflag:$0x1] =	stream.indirect_vreg.gather [hbm4b:s5+s3], $0x80, v3, vm0, $0xb8;
	[tilespmem:$0x1E500] =	vst v63  }
0x7d: {  	s29 =	simm.s32 $0xED00  }
0x7e: {  	[tilespmem:s29], [sflag:$0x1] =	stream.indirect_vreg.gather [hbm4b:s6+s3], $0x80, v3, vm0, $0xb8;
	[tilespmem:$0x1E500] =	vst v63  }
0x7f: {  	s30 =	simm.s32 $0x0;
	s29 =	simm.s32 $0x70  }
.LBB2_4:
0x80: {  	_ =	swait.ge [sflag:s28], $0xF000;
	s31 =	sadd.s32 s30, s8;
	s30 =	sadd.s32 $0x3C00, s30  }
0x81: {  	[sflag:s28] =	ssyncset.done $0x0;
	p0 =	sne.s32 s30, $0x1E000  }
.Ltmp3:
0x82: {  	[sflag:s28] =	ssyncadd.s32 $0xFFFF1000;
	(pc) =	sbr.rel @!p0 .LBB2_5-.Ltmp3, $4  }
0x83: {  	[hbm4b:s31+s3] =	stream.linear.scatter [tilespmem:s18], [sflag:$0x3], $0xF000, $0x38;
	[tilespmem:$0x1E500] =	vst v63  }
0x84: {  	_ =	swait.ge [sflag:s10], $0xF000  }
0x85: {  	[sflag:s10] =	ssyncset.done $0x0  }
0x86: {  	s29 =	sadd.s32 $0xA0, s29;
	[sflag:s10] =	ssyncadd.s32 $0xFFFF1000  }
.LBB2_2:
0x87: {  	v3 =	vld [tilespmem:s29+$0xFFFFFFE0];
	_ =	sdelay $0x4  }
0x88: {  	v4 =	vshrl.u32 v3, $0x3  }
0x89: {  	v4 =	vmul.u32 $0x30, v4  }
0x8a: {  	v3 =	vand.u32 $0x7, v3  }
0x8b: {  	v3 =	vor.u32 v3, v4  }
0x8c: {  	v4 =	vperm.xlane v3, v0;
	_ =	sdelay $0x1  }
0x8d: {  	v4 =	vadd.s32 v1, v4;
	_ =	sdelay $0x3  }
0x8e: {  	v3 =	vperm.xlane v3, v2  }
0x8f: {  	[tilespmem:s18], [sflag:$0x2] =	stream.indirect_vreg.gather [hbm4b:s1+s3], $0x80, v4, vm0, $0xb8;
	[tilespmem:$0x1E500] =	vst v63  }
0x90: {  	s31 =	simm.s32 $0xFD00;
	v3 =	vadd.s32 v1, v3  }
0x91: {  	[tilespmem:s31], [sflag:$0x2] =	stream.indirect_vreg.gather [hbm4b:s5+s3], $0x80, v4, vm0, $0xb8;
	[tilespmem:$0x1E500] =	vst v63  }
0x92: {  	s31 =	simm.s32 $0x10500  }
0x93: {  	[tilespmem:s31], [sflag:$0x2] =	stream.indirect_vreg.gather [hbm4b:s6+s3], $0x80, v4, vm0, $0xb8;
	[tilespmem:$0x1E500] =	vst v63  }
0x94: {  	s31 =	simm.s32 $0x10D00  }
0x95: {  	[tilespmem:s31], [sflag:$0x2] =	stream.indirect_vreg.gather [hbm4b:s1+s3], $0x80, v3, vm0, $0xb8;
	[tilespmem:$0x1E500] =	vst v63  }
0x96: {  	s31 =	simm.s32 $0x11500  }
0x97: {  	[tilespmem:s31], [sflag:$0x2] =	stream.indirect_vreg.gather [hbm4b:s5+s3], $0x80, v3, vm0, $0xb8;
	[tilespmem:$0x1E500] =	vst v63  }
0x98: {  	s31 =	simm.s32 $0x11D00  }
0x99: {  	[tilespmem:s31], [sflag:$0x2] =	stream.indirect_vreg.gather [hbm4b:s6+s3], $0x80, v3, vm0, $0xb8;
	[tilespmem:$0x1E500] =	vst v63  }
0x9a: {  	v3 =	vld [tilespmem:s29+$0xFFFFFFF0];
	_ =	sdelay $0x4  }
0x9b: {  	v60 =	vshrl.u32 v3, $0x3  }
0x9c: {  	v4 =	vmul.u32 $0x30, v60  }
0x9d: {  	v3 =	vand.u32 $0x7, v3  }
0x9e: {  	v3 =	vor.u32 v3, v4  }
0x9f: {  	v4 =	vperm.xlane v3, v0;
	_ =	sdelay $0x1  }
0xa0: {  	v4 =	vadd.s32 v1, v4;
	_ =	sdelay $0x3  }
0xa1: {  	s31 =	simm.s32 $0x12500;
	v3 =	vperm.xlane v3, v2  }
0xa2: {  	[tilespmem:s31], [sflag:$0x2] =	stream.indirect_vreg.gather [hbm4b:s1+s3], $0x80, v4, vm0, $0xb8;
	[tilespmem:$0x1E500] =	vst v63  }
0xa3: {  	v3 =	vadd.s32 v1, v3;
	s31 =	simm.s32 $0x12D00  }
0xa4: {  	[tilespmem:s31], [sflag:$0x2] =	stream.indirect_vreg.gather [hbm4b:s5+s3], $0x80, v4, vm0, $0xb8;
	[tilespmem:$0x1E500] =	vst v63  }
0xa5: {  	s31 =	simm.s32 $0x13500  }
0xa6: {  	[tilespmem:s31], [sflag:$0x2] =	stream.indirect_vreg.gather [hbm4b:s6+s3], $0x80, v4, vm0, $0xb8;
	[tilespmem:$0x1E500] =	vst v63  }
0xa7: {  	s31 =	simm.s32 $0x13D00  }
0xa8: {  	[tilespmem:s31], [sflag:$0x2] =	stream.indirect_vreg.gather [hbm4b:s1+s3], $0x80, v3, vm0, $0xb8;
	[tilespmem:$0x1E500] =	vst v63  }
0xa9: {  	s31 =	simm.s32 $0x14500  }
0xaa: {  	[tilespmem:s31], [sflag:$0x2] =	stream.indirect_vreg.gather [hbm4b:s5+s3], $0x80, v3, vm0, $0xb8;
	[tilespmem:$0x1E500] =	vst v63  }
0xab: {  	s31 =	simm.s32 $0x14D00  }
0xac: {  	[tilespmem:s31], [sflag:$0x2] =	stream.indirect_vreg.gather [hbm4b:s6+s3], $0x80, v3, vm0, $0xb8;
	[tilespmem:$0x1E500] =	vst v63  }
0xad: {  	v3 =	vld [tilespmem:s29+$0x0];
	_ =	sdelay $0x4  }
0xae: {  	v61 =	vshrl.u32 v3, $0x3  }
0xaf: {  	v4 =	vmul.u32 $0x30, v61  }
0xb0: {  	v3 =	vand.u32 $0x7, v3  }
0xb1: {  	v3 =	vor.u32 v3, v4  }
0xb2: {  	v4 =	vperm.xlane v3, v0;
	_ =	sdelay $0x1  }
0xb3: {  	v4 =	vadd.s32 v1, v4;
	_ =	sdelay $0x3  }
0xb4: {  	s31 =	simm.s32 $0x15500;
	v3 =	vperm.xlane v3, v2  }
0xb5: {  	[tilespmem:s31], [sflag:$0x2] =	stream.indirect_vreg.gather [hbm4b:s1+s3], $0x80, v4, vm0, $0xb8;
	[tilespmem:$0x1E500] =	vst v63  }
0xb6: {  	v3 =	vadd.s32 v1, v3  }
0xb7: {  	[tilespmem:s2], [sflag:$0x2] =	stream.indirect_vreg.gather [hbm4b:s5+s3], $0x80, v4, vm0, $0xb8;
	[tilespmem:$0x1E500] =	vst v63  }
0xb8: {  	_ = 	snop  }
0xb9: {  	[tilespmem:s0], [sflag:$0x2] =	stream.indirect_vreg.gather [hbm4b:s6+s3], $0x80, v4, vm0, $0xb8;
	[tilespmem:$0x1E500] =	vst v63  }
0xba: {  	_ = 	snop  }
0xbb: {  	[tilespmem:s4], [sflag:$0x2] =	stream.indirect_vreg.gather [hbm4b:s1+s3], $0x80, v3, vm0, $0xb8;
	[tilespmem:$0x1E500] =	vst v63  }
0xbc: {  	_ = 	snop  }
0xbd: {  	[tilespmem:s7], [sflag:$0x2] =	stream.indirect_vreg.gather [hbm4b:s5+s3], $0x80, v3, vm0, $0xb8;
	[tilespmem:$0x1E500] =	vst v63  }
0xbe: {  	_ = 	snop  }
0xbf: {  	[tilespmem:s12], [sflag:$0x2] =	stream.indirect_vreg.gather [hbm4b:s6+s3], $0x80, v3, vm0, $0xb8;
	[tilespmem:$0x1E500] =	vst v63  }
0xc0: {  	v3 =	vld [tilespmem:s29+$0x10];
	_ =	sdelay $0x4  }
0xc1: {  	v62 =	vshrl.u32 v3, $0x3  }
0xc2: {  	v4 =	vmul.u32 $0x30, v62  }
0xc3: {  	v3 =	vand.u32 $0x7, v3  }
0xc4: {  	v3 =	vor.u32 v3, v4  }
0xc5: {  	v4 =	vperm.xlane v3, v0;
	_ =	sdelay $0x1  }
0xc6: {  	v4 =	vadd.s32 v1, v4;
	_ =	sdelay $0x3  }
0xc7: {  	v3 =	vperm.xlane v3, v2  }
0xc8: {  	[tilespmem:s13], [sflag:$0x2] =	stream.indirect_vreg.gather [hbm4b:s1+s3], $0x80, v4, vm0, $0xb8;
	[tilespmem:$0x1E500] =	vst v63  }
0xc9: {  	v3 =	vadd.s32 v1, v3  }
0xca: {  	[tilespmem:s14], [sflag:$0x2] =	stream.indirect_vreg.gather [hbm4b:s5+s3], $0x80, v4, vm0, $0xb8;
	[tilespmem:$0x1E500] =	vst v63  }
0xcb: {  	_ = 	snop  }
0xcc: {  	[tilespmem:s15], [sflag:$0x2] =	stream.indirect_vreg.gather [hbm4b:s6+s3], $0x80, v4, vm0, $0xb8;
	[tilespmem:$0x1E500] =	vst v63  }
0xcd: {  	_ = 	snop  }
0xce: {  	[tilespmem:s16], [sflag:$0x2] =	stream.indirect_vreg.gather [hbm4b:s1+s3], $0x80, v3, vm0, $0xb8;
	[tilespmem:$0x1E500] =	vst v63  }
0xcf: {  	_ = 	snop  }
0xd0: {  	[tilespmem:s17], [sflag:$0x2] =	stream.indirect_vreg.gather [hbm4b:s5+s3], $0x80, v3, vm0, $0xb8;
	[tilespmem:$0x1E500] =	vst v63  }
0xd1: {  	_ = 	snop  }
0xd2: {  	[tilespmem:s19], [sflag:$0x2] =	stream.indirect_vreg.gather [hbm4b:s6+s3], $0x80, v3, vm0, $0xb8;
	[tilespmem:$0x1E500] =	vst v63  }
0xd3: {  	v3 =	vld [tilespmem:s29+$0x20];
	_ =	sdelay $0x4  }
0xd4: {  	v63 =	vshrl.u32 v3, $0x3  }
0xd5: {  	v4 =	vmul.u32 $0x30, v63  }
0xd6: {  	v3 =	vand.u32 $0x7, v3  }
0xd7: {  	v3 =	vor.u32 v3, v4  }
0xd8: {  	v4 =	vperm.xlane v3, v0;
	_ =	sdelay $0x1  }
0xd9: {  	v4 =	vadd.s32 v1, v4;
	_ =	sdelay $0x3  }
0xda: {  	v3 =	vperm.xlane v3, v2  }
0xdb: {  	[tilespmem:s20], [sflag:$0x2] =	stream.indirect_vreg.gather [hbm4b:s1+s3], $0x80, v4, vm0, $0xb8;
	[tilespmem:$0x1E500] =	vst v63  }
0xdc: {  	v3 =	vadd.s32 v1, v3  }
0xdd: {  	[tilespmem:s21], [sflag:$0x2] =	stream.indirect_vreg.gather [hbm4b:s5+s3], $0x80, v4, vm0, $0xb8;
	[tilespmem:$0x1E500] =	vst v63  }
0xde: {  	_ = 	snop  }
0xdf: {  	[tilespmem:s22], [sflag:$0x2] =	stream.indirect_vreg.gather [hbm4b:s6+s3], $0x80, v4, vm0, $0xb8;
	[tilespmem:$0x1E500] =	vst v63  }
0xe0: {  	_ = 	snop  }
0xe1: {  	[tilespmem:s23], [sflag:$0x2] =	stream.indirect_vreg.gather [hbm4b:s1+s3], $0x80, v3, vm0, $0xb8;
	[tilespmem:$0x1E500] =	vst v63  }
0xe2: {  	_ = 	snop  }
0xe3: {  	[tilespmem:s24], [sflag:$0x2] =	stream.indirect_vreg.gather [hbm4b:s5+s3], $0x80, v3, vm0, $0xb8;
	[tilespmem:$0x1E500] =	vst v63  }
0xe4: {  	_ = 	snop  }
0xe5: {  	[tilespmem:s25], [sflag:$0x2] =	stream.indirect_vreg.gather [hbm4b:s6+s3], $0x80, v3, vm0, $0xb8;
	[tilespmem:$0x1E500] =	vst v63  }
0xe6: {  	_ =	swait.ge [sflag:s26], $0xF000  }
0xe7: {  	p0 =	seq.s32 s30, $0x1A400;
	[sflag:s26] =	ssyncset.done $0x0  }
.Ltmp4:
0xe8: {  	s31 =	sadd.s32 s30, s9;
	[sflag:s26] =	ssyncadd.s32 $0xFFFF1000;
	(pc) =	sbr.rel @p0 .LBB2_4-.Ltmp4, $4  }
0xe9: {  	[hbm4b:s31+s3] =	stream.linear.scatter [tilespmem:s11], [sflag:$0x3], $0xF000, $0x38;
	[tilespmem:$0x1E500] =	vst v63  }
0xea: {  	_ =	swait.ge [sflag:s10], $0xF000  }
0xeb: {  	[sflag:s10] =	ssyncset.done $0x0  }
0xec: {  	[sflag:s10] =	ssyncadd.s32 $0xFFFF1000  }
0xed: {  	v3 =	vld [tilespmem:s29+$0x30];
	_ =	sdelay $0x4  }
0xee: {  	v4 =	vshrl.u32 v3, $0x3  }
0xef: {  	v4 =	vmul.u32 $0x30, v4  }
0xf0: {  	v3 =	vand.u32 $0x7, v3  }
0xf1: {  	v3 =	vor.u32 v3, v4  }
0xf2: {  	v4 =	vperm.xlane v3, v0;
	_ =	sdelay $0x1  }
0xf3: {  	v4 =	vadd.s32 v1, v4;
	_ =	sdelay $0x3  }
0xf4: {  	v3 =	vperm.xlane v3, v2  }
0xf5: {  	[tilespmem:s11], [sflag:$0x1] =	stream.indirect_vreg.gather [hbm4b:s1+s3], $0x80, v4, vm0, $0xb8;
	[tilespmem:$0x1E500] =	vst v63  }
0xf6: {  	s31 =	simm.s32 $0xD00;
	v3 =	vadd.s32 v1, v3  }
0xf7: {  	[tilespmem:s31], [sflag:$0x1] =	stream.indirect_vreg.gather [hbm4b:s5+s3], $0x80, v4, vm0, $0xb8;
	[tilespmem:$0x1E500] =	vst v63  }
0xf8: {  	s31 =	simm.s32 $0x1500  }
0xf9: {  	[tilespmem:s31], [sflag:$0x1] =	stream.indirect_vreg.gather [hbm4b:s6+s3], $0x80, v4, vm0, $0xb8;
	[tilespmem:$0x1E500] =	vst v63  }
0xfa: {  	s31 =	simm.s32 $0x1D00  }
0xfb: {  	[tilespmem:s31], [sflag:$0x1] =	stream.indirect_vreg.gather [hbm4b:s1+s3], $0x80, v3, vm0, $0xb8;
	[tilespmem:$0x1E500] =	vst v63  }
0xfc: {  	s31 =	simm.s32 $0x2500  }
0xfd: {  	[tilespmem:s31], [sflag:$0x1] =	stream.indirect_vreg.gather [hbm4b:s5+s3], $0x80, v3, vm0, $0xb8;
	[tilespmem:$0x1E500] =	vst v63  }
0xfe: {  	s31 =	simm.s32 $0x2D00  }
0xff: {  	[tilespmem:s31], [sflag:$0x1] =	stream.indirect_vreg.gather [hbm4b:s6+s3], $0x80, v3, vm0, $0xb8;
	[tilespmem:$0x1E500] =	vst v63  }
0x100: {  	v3 =	vld [tilespmem:s29+$0x40];
	_ =	sdelay $0x4  }
0x101: {  	v60 =	vshrl.u32 v3, $0x3  }
0x102: {  	v4 =	vmul.u32 $0x30, v60  }
0x103: {  	v3 =	vand.u32 $0x7, v3  }
0x104: {  	v3 =	vor.u32 v3, v4  }
0x105: {  	v4 =	vperm.xlane v3, v0;
	_ =	sdelay $0x1  }
0x106: {  	v4 =	vadd.s32 v1, v4;
	_ =	sdelay $0x3  }
0x107: {  	s31 =	simm.s32 $0x3500;
	v3 =	vperm.xlane v3, v2  }
0x108: {  	[tilespmem:s31], [sflag:$0x1] =	stream.indirect_vreg.gather [hbm4b:s1+s3], $0x80, v4, vm0, $0xb8;
	[tilespmem:$0x1E500] =	vst v63  }
0x109: {  	v3 =	vadd.s32 v1, v3;
	s31 =	simm.s32 $0x3D00  }
0x10a: {  	[tilespmem:s31], [sflag:$0x1] =	stream.indirect_vreg.gather [hbm4b:s5+s3], $0x80, v4, vm0, $0xb8;
	[tilespmem:$0x1E500] =	vst v63  }
0x10b: {  	s31 =	simm.s32 $0x4500  }
0x10c: {  	[tilespmem:s31], [sflag:$0x1] =	stream.indirect_vreg.gather [hbm4b:s6+s3], $0x80, v4, vm0, $0xb8;
	[tilespmem:$0x1E500] =	vst v63  }
0x10d: {  	s31 =	simm.s32 $0x4D00  }
0x10e: {  	[tilespmem:s31], [sflag:$0x1] =	stream.indirect_vreg.gather [hbm4b:s1+s3], $0x80, v3, vm0, $0xb8;
	[tilespmem:$0x1E500] =	vst v63  }
0x10f: {  	s31 =	simm.s32 $0x5500  }
0x110: {  	[tilespmem:s31], [sflag:$0x1] =	stream.indirect_vreg.gather [hbm4b:s5+s3], $0x80, v3, vm0, $0xb8;
	[tilespmem:$0x1E500] =	vst v63  }
0x111: {  	s31 =	simm.s32 $0x5D00  }
0x112: {  	[tilespmem:s31], [sflag:$0x1] =	stream.indirect_vreg.gather [hbm4b:s6+s3], $0x80, v3, vm0, $0xb8;
	[tilespmem:$0x1E500] =	vst v63  }
0x113: {  	v3 =	vld [tilespmem:s29+$0x50];
	_ =	sdelay $0x4  }
0x114: {  	v61 =	vshrl.u32 v3, $0x3  }
0x115: {  	v4 =	vmul.u32 $0x30, v61  }
0x116: {  	v3 =	vand.u32 $0x7, v3  }
0x117: {  	v3 =	vor.u32 v3, v4  }
0x118: {  	v4 =	vperm.xlane v3, v0;
	_ =	sdelay $0x1  }
0x119: {  	v4 =	vadd.s32 v1, v4;
	_ =	sdelay $0x3  }
0x11a: {  	s31 =	simm.s32 $0x6500;
	v3 =	vperm.xlane v3, v2  }
0x11b: {  	[tilespmem:s31], [sflag:$0x1] =	stream.indirect_vreg.gather [hbm4b:s1+s3], $0x80, v4, vm0, $0xb8;
	[tilespmem:$0x1E500] =	vst v63  }
0x11c: {  	v3 =	vadd.s32 v1, v3;
	s31 =	simm.s32 $0x6D00  }
0x11d: {  	[tilespmem:s31], [sflag:$0x1] =	stream.indirect_vreg.gather [hbm4b:s5+s3], $0x80, v4, vm0, $0xb8;
	[tilespmem:$0x1E500] =	vst v63  }
0x11e: {  	s31 =	simm.s32 $0x7500  }
0x11f: {  	[tilespmem:s31], [sflag:$0x1] =	stream.indirect_vreg.gather [hbm4b:s6+s3], $0x80, v4, vm0, $0xb8;
	[tilespmem:$0x1E500] =	vst v63  }
0x120: {  	s31 =	simm.s32 $0x7D00  }
0x121: {  	[tilespmem:s31], [sflag:$0x1] =	stream.indirect_vreg.gather [hbm4b:s1+s3], $0x80, v3, vm0, $0xb8;
	[tilespmem:$0x1E500] =	vst v63  }
0x122: {  	s31 =	simm.s32 $0x8500  }
0x123: {  	[tilespmem:s31], [sflag:$0x1] =	stream.indirect_vreg.gather [hbm4b:s5+s3], $0x80, v3, vm0, $0xb8;
	[tilespmem:$0x1E500] =	vst v63  }
0x124: {  	s31 =	simm.s32 $0x8D00  }
0x125: {  	[tilespmem:s31], [sflag:$0x1] =	stream.indirect_vreg.gather [hbm4b:s6+s3], $0x80, v3, vm0, $0xb8;
	[tilespmem:$0x1E500] =	vst v63  }
0x126: {  	v3 =	vld [tilespmem:s29+$0x60];
	_ =	sdelay $0x4  }
0x127: {  	v62 =	vshrl.u32 v3, $0x3  }
0x128: {  	v4 =	vmul.u32 $0x30, v62  }
0x129: {  	v3 =	vand.u32 $0x7, v3  }
0x12a: {  	v3 =	vor.u32 v3, v4  }
0x12b: {  	v4 =	vperm.xlane v3, v0;
	_ =	sdelay $0x1  }
0x12c: {  	v4 =	vadd.s32 v1, v4;
	_ =	sdelay $0x3  }
0x12d: {  	s31 =	simm.s32 $0x9500;
	v3 =	vperm.xlane v3, v2  }
0x12e: {  	[tilespmem:s31], [sflag:$0x1] =	stream.indirect_vreg.gather [hbm4b:s1+s3], $0x80, v4, vm0, $0xb8;
	[tilespmem:$0x1E500] =	vst v63  }
0x12f: {  	v3 =	vadd.s32 v1, v3;
	s31 =	simm.s32 $0x9D00  }
0x130: {  	[tilespmem:s31], [sflag:$0x1] =	stream.indirect_vreg.gather [hbm4b:s5+s3], $0x80, v4, vm0, $0xb8;
	[tilespmem:$0x1E500] =	vst v63  }
0x131: {  	s31 =	simm.s32 $0xA500  }
0x132: {  	[tilespmem:s31], [sflag:$0x1] =	stream.indirect_vreg.gather [hbm4b:s6+s3], $0x80, v4, vm0, $0xb8;
	[tilespmem:$0x1E500] =	vst v63  }
0x133: {  	s31 =	simm.s32 $0xAD00  }
0x134: {  	[tilespmem:s31], [sflag:$0x1] =	stream.indirect_vreg.gather [hbm4b:s1+s3], $0x80, v3, vm0, $0xb8;
	[tilespmem:$0x1E500] =	vst v63  }
0x135: {  	s31 =	simm.s32 $0xB500  }
0x136: {  	[tilespmem:s31], [sflag:$0x1] =	stream.indirect_vreg.gather [hbm4b:s5+s3], $0x80, v3, vm0, $0xb8;
	[tilespmem:$0x1E500] =	vst v63  }
0x137: {  	s31 =	simm.s32 $0xBD00  }
0x138: {  	[tilespmem:s31], [sflag:$0x1] =	stream.indirect_vreg.gather [hbm4b:s6+s3], $0x80, v3, vm0, $0xb8;
	[tilespmem:$0x1E500] =	vst v63  }
0x139: {  	v3 =	vld [tilespmem:s29+$0x70];
	_ =	sdelay $0x4  }
0x13a: {  	v63 =	vshrl.u32 v3, $0x3  }
0x13b: {  	v4 =	vmul.u32 $0x30, v63  }
0x13c: {  	v3 =	vand.u32 $0x7, v3  }
0x13d: {  	v3 =	vor.u32 v3, v4  }
0x13e: {  	v4 =	vperm.xlane v3, v0;
	_ =	sdelay $0x1  }
0x13f: {  	v4 =	vadd.s32 v1, v4;
	_ =	sdelay $0x3  }
0x140: {  	s31 =	simm.s32 $0xC500;
	v3 =	vperm.xlane v3, v2  }
0x141: {  	[tilespmem:s31], [sflag:$0x1] =	stream.indirect_vreg.gather [hbm4b:s1+s3], $0x80, v4, vm0, $0xb8;
	[tilespmem:$0x1E500] =	vst v63  }
0x142: {  	v3 =	vadd.s32 v1, v3;
	s31 =	simm.s32 $0xCD00  }
0x143: {  	[tilespmem:s31], [sflag:$0x1] =	stream.indirect_vreg.gather [hbm4b:s5+s3], $0x80, v4, vm0, $0xb8;
	[tilespmem:$0x1E500] =	vst v63  }
0x144: {  	s31 =	simm.s32 $0xD500  }
0x145: {  	[tilespmem:s31], [sflag:$0x1] =	stream.indirect_vreg.gather [hbm4b:s6+s3], $0x80, v4, vm0, $0xb8;
	[tilespmem:$0x1E500] =	vst v63  }
0x146: {  	s31 =	simm.s32 $0xDD00  }
0x147: {  	[tilespmem:s31], [sflag:$0x1] =	stream.indirect_vreg.gather [hbm4b:s1+s3], $0x80, v3, vm0, $0xb8;
	[tilespmem:$0x1E500] =	vst v63  }
.Ltmp5:
0x148: {  	_ = 	snop;
	(pc) =	sbr.rel .LBB2_4-.Ltmp5, $4  }
0x149: {  	s31 =	simm.s32 $0xE500  }
0x14a: {  	[tilespmem:s31], [sflag:$0x1] =	stream.indirect_vreg.gather [hbm4b:s5+s3], $0x80, v3, vm0, $0xb8;
	[tilespmem:$0x1E500] =	vst v63  }
0x14b: {  	s31 =	simm.s32 $0xED00  }
0x14c: {  	[tilespmem:s31], [sflag:$0x1] =	stream.indirect_vreg.gather [hbm4b:s6+s3], $0x80, v3, vm0, $0xb8;
	[tilespmem:$0x1E500] =	vst v63  }
.LBB2_6:
0x14d: {  	_ =	sfence.sel $0x180000  }
0x14e: {  	[bflag:$0x0] =	sbarrier.arrive $0xFFFF  }
0x14f: {  	_ =	strace $0x90000047  }
0x150: {  	s0 =	stileid.u32;
	[bflag:$0x2] =	sbarrier.arrive $0xFFFF  }
0x151: {  	p0 =	sne.s32 s0, $0x0;
	s0 =	rddreg [dreg:$0x3]  }
0x152: {  	s0 =	sadd.s32 @!p0 $0x100000, s0  }
0x153: {  	[sflag:s0] =	ssyncadd.tile.s32 @!p0 $0x1;
	_ =	shalt  }
.Lfunc_end2:
_tile_overlayer_lowered:
.L_overlay_start_2:
0x154: {  	(tag) =	ssettag $0x2  }
0x155: {  	s0 =	rddreg [dreg:$0x0];
	s2 =	stileid.u32  }
0x156: {  	s1 =	rddreg [dreg:$0x1];
	p0 =	sne.s32 s2, $0x0  }
0x157: {  	s3 =	rddreg [dreg:$0x2];
	[bflag:$0x3] =	sbarrier.arrive $0xFFFF;
	s2 =	simm.s32 @!p0 $0x1C03  }
0x158: {  	[timem:s3], [sflag:s2] =	dma.local @!p0 [hbm:s0], s1  }
0x159: {  	s0 =	simm.s32 @!p0 $0x3  }
0x15a: {  	_ =	swait.ge @!p0 [sflag:s0], s1  }
0x15b: {  	s1 =	ssub.s32 @!p0 $0x0, s1;
	[sflag:s0] =	ssyncset.done @!p0 $0x0  }
0x15c: {  	[sflag:s0] =	ssyncadd.s32 @!p0 s1  }
0x15d: {  	[bflag:$0x3] =	sbarrier.arrive $0xFFFF  }
0x15e: {  	_ =	shalt  }

</sc_bundles>
